<compile_context>
chip_gen: v7x
topology: tpu7x:2x2x1
jax: 0.10.2.dev20260603
libtpu: 0.0.44.dev20260713+nightly
codegen_flags: <defaults>
</compile_context>

<pallas_src>
import functools

import jax
import jax.numpy as jnp
from jax import lax
from jax.experimental import pallas as pl
from jax.experimental.pallas import tpu as pltpu
from jax.experimental.pallas import tpu_sc as plsc

_L = 16


def _make_partial_kernel(B, V, D, NC, NS):
    b_per_s = B // NS
    d_per_c = D // NC

    mesh = plsc.VectorSubcoreMesh(core_axis_name="c", subcore_axis_name="s")

    @functools.partial(
        pl.kernel,
        mesh=mesh,
        out_type=jax.ShapeDtypeStruct((NC * B,), jnp.float32),
        scratch_types=[
            pltpu.VMEM((b_per_s,), jnp.int32),
            pltpu.VMEM((b_per_s,), jnp.int32),
            pltpu.VMEM((b_per_s,), jnp.float32),
            pltpu.VMEM((b_per_s,), jnp.float32),
            pltpu.VMEM((b_per_s,), jnp.float32),
            pltpu.VMEM_SHARED((V,), jnp.float32),
            pltpu.VMEM_SHARED((V,), jnp.float32),
            pltpu.SemaphoreType.DMA,
            pltpu.SemaphoreType.DMA,
            pltpu.SemaphoreType.DMA,
            pltpu.SemaphoreType.DMA,
        ],
    )
    def sc_k(ti_hbm, ci_hbm, tblT_hbm, out_hbm,
             ti_v, ci_v, t_val, c_val, acc_v, col0_sh, col1_sh,
             sem_s0, sem_s1, sem_t, sem_c):
        sid = lax.axis_index("s")
        cid = lax.axis_index("c")
        base = sid * b_per_s
        pltpu.sync_copy(ti_hbm.at[pl.ds(base, b_per_s)], ti_v)
        pltpu.sync_copy(ci_hbm.at[pl.ds(base, b_per_s)], ci_v)

        def zero_body(g, carry):
            acc_v[pl.ds(g * _L, _L)] = jnp.zeros((_L,), jnp.float32)
            return carry

        lax.fori_loop(0, b_per_s // _L, zero_body, 0)

        d0 = cid * d_per_c

        @pl.when(sid == 0)
        def _prologue():
            pltpu.make_async_copy(tblT_hbm.at[d0, :], col0_sh, sem_s0).start()

        def feat_pair(dd2, carry):
            for par, colP, colO, semP, semO in (
                (0, col0_sh, col1_sh, sem_s0, sem_s1),
                (1, col1_sh, col0_sh, sem_s1, sem_s0),
            ):
                dd = 2 * dd2 + par
                d = d0 + dd

                @pl.when(sid == 0)
                def _wait_stage():
                    pltpu.make_async_copy(
                        tblT_hbm.at[d, :], colP, semP).wait()

                plsc.subcore_barrier()

                @pl.when(jnp.logical_and(sid == 0, dd + 1 < d_per_c))
                def _stage_next():
                    pltpu.make_async_copy(
                        tblT_hbm.at[d + 1, :], colO, semO).start()

                cp_t = pltpu.make_async_copy(colP.at[ti_v], t_val, sem_t)
                cp_c = pltpu.make_async_copy(colP.at[ci_v], c_val, sem_c)
                cp_t.start()
                cp_c.start()
                cp_t.wait()
                cp_c.wait()

                def mac_body(g, carry2):
                    p = pl.ds(g * _L, _L)
                    acc_v[p] = acc_v[p] + t_val[p] * c_val[p]
                    return carry2

                lax.fori_loop(0, b_per_s // _L, mac_body, 0)
                plsc.subcore_barrier()
            return carry

        lax.fori_loop(0, d_per_c // 2, feat_pair, 0)
        pltpu.sync_copy(acc_v, out_hbm.at[pl.ds(cid * B + base, b_per_s)])

    return sc_k


def _make_combine_kernel(B, NC, NS):
    NW = NC * NS
    b_per_w = B // NW

    mesh = plsc.VectorSubcoreMesh(core_axis_name="c", subcore_axis_name="s")

    @functools.partial(
        pl.kernel,
        mesh=mesh,
        out_type=jax.ShapeDtypeStruct((B,), jnp.float32),
        scratch_types=[
            pltpu.VMEM((b_per_w,), jnp.float32),
            pltpu.VMEM((b_per_w,), jnp.float32),
        ],
    )
    def cmb_k(part_hbm, out_hbm, p0_v, p1_v):
        wid = lax.axis_index("s") * NC + lax.axis_index("c")
        base = wid * b_per_w
        pltpu.sync_copy(part_hbm.at[pl.ds(base, b_per_w)], p0_v)
        pltpu.sync_copy(part_hbm.at[pl.ds(B + base, b_per_w)], p1_v)

        def body(g, carry):
            p = pl.ds(g * _L, _L)
            s = p0_v[p] + p1_v[p]
            p0_v[p] = 1.0 / (1.0 + jnp.exp(-s))
            return carry

        lax.fori_loop(0, b_per_w // _L, body, 0)
        pltpu.sync_copy(p0_v, out_hbm.at[pl.ds(base, b_per_w)])

    return cmb_k


def kernel(pair_items, table):
    B = pair_items.shape[1]
    V, D = table.shape
    info = plsc.get_sparse_core_info()
    NC, NS = info.num_cores, info.num_subcores
    part_k = _make_partial_kernel(B, V, D, NC, NS)
    cmb_k = _make_combine_kernel(B, NC, NS)
    partials = part_k(pair_items[0], pair_items[1], table.T)
    return cmb_k(partials)

# --- scband reference (transcript-rebuilt; emitter-appended) ---
"""Pipeline reference for scband-embedding-model-20822001451377 (READ-ONLY COPY).

The authoritative reference and input builder live on the scoring server;
editing this copy changes nothing except your own understanding.
"""

import jax, jax.numpy as jnp
import numpy as np

VOCAB = 1000000
DIM = 64
BATCH = 16384


def setup_inputs(seed: int = 0) -> dict:
    key = jax.random.key(seed)
    k1, k2 = jax.random.split(key)
    pair_items = jax.random.randint(k1, (2, BATCH), 0, VOCAB, dtype=jnp.int64 if jax.config.jax_enable_x64 else jnp.int32).astype(jnp.int32)
    # embedding table (learned parameter), xavier-normal-ish init
    table = jax.random.normal(k2, (VOCAB, DIM), dtype=jnp.float32) * (2.0 / (VOCAB + DIM)) ** 0.5
    # emulate padding_idx=0: zero out row 0
    table = table.at[0].set(0.0)
    return {"pair_items": pair_items, "table": table}


def reference(pair_items, table):
    # target = embedding lookup of pair_items[0]
    target = jnp.take(table, pair_items[0], axis=0)
    # context = embedding lookup of pair_items[1]
    context = jnp.take(table, pair_items[1], axis=0)
    # dot product per pair, then sigmoid activation
    out = jnp.sum(target * context, axis=1)
    out = jax.nn.sigmoid(out)
    return out

if __name__ == "__main__":
    import jax
    _d = setup_inputs()
    print(jax.jit(kernel)(*tuple(_d.values())))

</pallas_src>

<mosaic_0001>
#map = affine_map<(d0, d1) -> (0)>
#map1 = affine_map<(d0, d1) -> (0, 0)>
module attributes {stable_mosaic.version = 14 : i64} {
  func.func @sc_k(%arg0: i32, %arg1: i32, %arg2: memref<16384xi32, #tpu.memory_space<hbm>>, %arg3: memref<16384xi32, #tpu.memory_space<hbm>>, %arg4: memref<64x1000000xf32, #tpu.memory_space<hbm>>, %arg5: memref<32768xf32, #tpu.memory_space<hbm>>, %arg6: memref<1024xi32, #tpu.memory_space<vmem>>, %arg7: memref<1024xi32, #tpu.memory_space<vmem>>, %arg8: memref<1024xf32, #tpu.memory_space<vmem>>, %arg9: memref<1024xf32, #tpu.memory_space<vmem>>, %arg10: memref<1024xf32, #tpu.memory_space<vmem>>, %arg11: memref<1000000xf32, #tpu.memory_space<vmem_shared>>, %arg12: memref<1000000xf32, #tpu.memory_space<vmem_shared>>, %arg13: memref<!tpu.dma_semaphore, #tpu.memory_space<semaphore_mem>>, %arg14: memref<!tpu.dma_semaphore, #tpu.memory_space<semaphore_mem>>, %arg15: memref<!tpu.dma_semaphore, #tpu.memory_space<semaphore_mem>>, %arg16: memref<!tpu.dma_semaphore, #tpu.memory_space<semaphore_mem>>) attributes {dimension_semantics = [#tpu.dimension_semantics<core_parallel>, #tpu.dimension_semantics<subcore_parallel>], iteration_bounds = array<i64: 2, 16>, scalar_prefetch = 0 : i64, scratch_operands = 11 : i64, tpu.core_type = #tpu.core_type<sc_vector_subcore>, window_params = [{transform_indices = #map}, {transform_indices = #map}, {transform_indices = #map1}, {transform_indices = #map}]} {
    %mul3A = arith.constant 1024 : i32
    %mul3A_0 = arith.muli %arg1, %mul3A : i32
    "tpu.region"() ({
      %run_scoped3A = tpu.sem_alloc : memref<!tpu.dma_semaphore, #tpu.memory_space<semaphore_mem>>
      %dma_start3A = tpu.memref_slice %arg2[%mul3A_0] : memref<16384xi32, #tpu.memory_space<hbm>> -> memref<1024xi32, #tpu.memory_space<hbm>>
      %dma_start3A_18 = tpu.memref_slice %arg2[%mul3A_0] : memref<16384xi32, #tpu.memory_space<hbm>> -> memref<1024xi32, #tpu.memory_space<hbm>>
      tpu.enqueue_dma source(%dma_start3A_18 : memref<1024xi32, #tpu.memory_space<hbm>>) target(%arg6 : memref<1024xi32, #tpu.memory_space<vmem>>) target_semaphore(%run_scoped3A : memref<!tpu.dma_semaphore, #tpu.memory_space<semaphore_mem>>)
      %dma_wait3A = tpu.memref_slice %arg2[%mul3A_0] : memref<16384xi32, #tpu.memory_space<hbm>> -> memref<1024xi32, #tpu.memory_space<hbm>>
      %dma_wait3A_19 = tpu.memref_slice %arg2[%mul3A_0] : memref<16384xi32, #tpu.memory_space<hbm>> -> memref<1024xi32, #tpu.memory_space<hbm>>
      tpu.wait_dma2 semaphore(%run_scoped3A : memref<!tpu.dma_semaphore, #tpu.memory_space<semaphore_mem>>) src(%dma_wait3A_19 : memref<1024xi32, #tpu.memory_space<hbm>>) dst(%arg6 : memref<1024xi32, #tpu.memory_space<vmem>>)
      tpu.yield
    }) : () -> ()
    "tpu.region"() ({
      %run_scoped3A = tpu.sem_alloc : memref<!tpu.dma_semaphore, #tpu.memory_space<semaphore_mem>>
      %dma_start3A = tpu.memref_slice %arg3[%mul3A_0] : memref<16384xi32, #tpu.memory_space<hbm>> -> memref<1024xi32, #tpu.memory_space<hbm>>
      %dma_start3A_18 = tpu.memref_slice %arg3[%mul3A_0] : memref<16384xi32, #tpu.memory_space<hbm>> -> memref<1024xi32, #tpu.memory_space<hbm>>
      tpu.enqueue_dma source(%dma_start3A_18 : memref<1024xi32, #tpu.memory_space<hbm>>) target(%arg7 : memref<1024xi32, #tpu.memory_space<vmem>>) target_semaphore(%run_scoped3A : memref<!tpu.dma_semaphore, #tpu.memory_space<semaphore_mem>>)
      %dma_wait3A = tpu.memref_slice %arg3[%mul3A_0] : memref<16384xi32, #tpu.memory_space<hbm>> -> memref<1024xi32, #tpu.memory_space<hbm>>
      %dma_wait3A_19 = tpu.memref_slice %arg3[%mul3A_0] : memref<16384xi32, #tpu.memory_space<hbm>> -> memref<1024xi32, #tpu.memory_space<hbm>>
      tpu.wait_dma2 semaphore(%run_scoped3A : memref<!tpu.dma_semaphore, #tpu.memory_space<semaphore_mem>>) src(%dma_wait3A_19 : memref<1024xi32, #tpu.memory_space<hbm>>) dst(%arg7 : memref<1024xi32, #tpu.memory_space<vmem>>)
      tpu.yield
    }) : () -> ()
    %scan3A = arith.constant 0 : i32
    %scan3A_1 = arith.constant 0 : i32
    %scan3A_2 = arith.constant 64 : i32
    %scan3A_3 = arith.addi %scan3A_1, %scan3A_2 : i32
    %scan3A_4 = arith.constant 1 : i32
    scf.for %scan3A_18 = %scan3A_1 to %scan3A_3 step %scan3A_4  : i32 {
      %broadcast_in_dim3A = arith.constant 0.000000e+00 : f32
      %broadcast_in_dim3A_19 = vector.broadcast %broadcast_in_dim3A : f32 to vector<16xf32>
      %mul3A_20 = arith.constant 16 : i32
      %mul3A_21 = arith.muli %scan3A_18, %mul3A_20 : i32
      %swap3A = arith.index_cast %mul3A_21 : i32 to index
      %swap3A_22 = tpu.vector_load %arg10[%swap3A] {strides = array<i32>} : memref<1024xf32, #tpu.memory_space<vmem>>, vector<16xf32>,
      %swap3A_23 = vector.shape_cast %swap3A_22 : vector<16xf32> to vector<16xf32>
      %swap3A_24 = vector.shape_cast %broadcast_in_dim3A_19 : vector<16xf32> to vector<16xf32>
      tpu.vector_store %arg10[%swap3A], %swap3A_24 {strides = array<i32>} : memref<1024xf32, #tpu.memory_space<vmem>>, vector<16xf32>,
    }
    %scan3A_5 = arith.constant 64 : i32
    %mul3A_6 = arith.constant 32 : i32
    %mul3A_7 = arith.muli %arg0, %mul3A_6 : i32
    %eq3A = arith.constant 0 : i32
    %eq3A_8 = arith.cmpi eq, %arg1, %eq3A : i32
    %convert_element_type3A = arith.extui %eq3A_8 : i1 to i32
    %cond3A = arith.constant 0 : i32
    %cond3A_9 = arith.cmpi ne, %convert_element_type3A, %cond3A : i32
    scf.if %cond3A_9 {
      %dma_start3A = arith.constant 0 : i32
      %dma_start3A_18 = tpu.memref_slice %arg4[%mul3A_7, %dma_start3A] : memref<64x1000000xf32, #tpu.memory_space<hbm>> -> memref<1x1000000xf32, #tpu.memory_space<hbm>>
      %dma_start3A_19 = tpu.memref_squeeze %dma_start3A_18 : memref<1x1000000xf32, #tpu.memory_space<hbm>> -> memref<1000000xf32, #tpu.memory_space<hbm>>
      tpu.enqueue_dma source(%dma_start3A_19 : memref<1000000xf32, #tpu.memory_space<hbm>>) target(%arg11 : memref<1000000xf32, #tpu.memory_space<vmem_shared>>) target_semaphore(%arg13 : memref<!tpu.dma_semaphore, #tpu.memory_space<semaphore_mem>>)
    } else {
    }
    %scan3A_10 = arith.constant 0 : i32
    %scan3A_11 = arith.constant 0 : i32
    %scan3A_12 = arith.constant 16 : i32
    %scan3A_13 = arith.addi %scan3A_11, %scan3A_12 : i32
    %scan3A_14 = arith.constant 1 : i32
    scf.for %scan3A_18 = %scan3A_11 to %scan3A_13 step %scan3A_14  : i32 {
      %mul3A_19 = arith.constant 2 : i32
      %mul3A_20 = arith.muli %mul3A_19, %scan3A_18 : i32
      %add3A_21 = arith.constant 0 : i32
      %add3A_22 = arith.addi %mul3A_20, %add3A_21 : i32
      %add3A_23 = arith.addi %mul3A_7, %add3A_22 : i32
      %eq3A_24 = arith.constant 0 : i32
      %eq3A_25 = arith.cmpi eq, %arg1, %eq3A_24 : i32
      %convert_element_type3A_26 = arith.extui %eq3A_25 : i1 to i32
      %cond3A_27 = arith.constant 0 : i32
      %cond3A_28 = arith.cmpi ne, %convert_element_type3A_26, %cond3A_27 : i32
      scf.if %cond3A_28 {
        %dma_wait3A_86 = arith.constant 0 : i32
        %dma_wait3A_87 = tpu.memref_slice %arg4[%add3A_23, %dma_wait3A_86] : memref<64x1000000xf32, #tpu.memory_space<hbm>> -> memref<1x1000000xf32, #tpu.memory_space<hbm>>
        %dma_wait3A_88 = tpu.memref_squeeze %dma_wait3A_87 : memref<1x1000000xf32, #tpu.memory_space<hbm>> -> memref<1000000xf32, #tpu.memory_space<hbm>>
        tpu.wait_dma2 semaphore(%arg13 : memref<!tpu.dma_semaphore, #tpu.memory_space<semaphore_mem>>) src(%dma_wait3A_88 : memref<1000000xf32, #tpu.memory_space<hbm>>) dst(%arg11 : memref<1000000xf32, #tpu.memory_space<vmem_shared>>)
      } else {
      }
      %barrier3A = arith.constant 0 : index
      tpu.barrier barrier_id(%barrier3A)
      %eq3A_29 = arith.constant 0 : i32
      %eq3A_30 = arith.cmpi eq, %arg1, %eq3A_29 : i32
      %add3A_31 = arith.constant 1 : i32
      %add3A_32 = arith.addi %add3A_22, %add3A_31 : i32
      %lt3A = arith.constant 32 : i32
      %lt3A_33 = arith.cmpi slt, %add3A_32, %lt3A : i32
      %and3A = arith.andi %eq3A_30, %lt3A_33 : i1
      %convert_element_type3A_34 = arith.extui %and3A : i1 to i32
      %cond3A_35 = arith.constant 0 : i32
      %cond3A_36 = arith.cmpi ne, %convert_element_type3A_34, %cond3A_35 : i32
      scf.if %cond3A_36 {
        %add3A_86 = arith.constant 1 : i32
        %add3A_87 = arith.addi %add3A_23, %add3A_86 : i32
        %dma_start3A_88 = arith.constant 0 : i32
        %dma_start3A_89 = tpu.memref_slice %arg4[%add3A_87, %dma_start3A_88] : memref<64x1000000xf32, #tpu.memory_space<hbm>> -> memref<1x1000000xf32, #tpu.memory_space<hbm>>
        %dma_start3A_90 = tpu.memref_squeeze %dma_start3A_89 : memref<1x1000000xf32, #tpu.memory_space<hbm>> -> memref<1000000xf32, #tpu.memory_space<hbm>>
        tpu.enqueue_dma source(%dma_start3A_90 : memref<1000000xf32, #tpu.memory_space<hbm>>) target(%arg12 : memref<1000000xf32, #tpu.memory_space<vmem_shared>>) target_semaphore(%arg14 : memref<!tpu.dma_semaphore, #tpu.memory_space<semaphore_mem>>)
      } else {
      }
      %dma_start3A = arith.constant 0 : i32
      %dma_start3A_37 = tpu.memref_slice %arg11[%dma_start3A] : memref<1000000xf32, #tpu.memory_space<vmem_shared>> -> memref<1000000xf32, #tpu.memory_space<vmem_shared>>
      tpu.enqueue_indirect_dma source(%dma_start3A_37 : memref<1000000xf32, #tpu.memory_space<vmem_shared>>) target(%arg8 : memref<1024xf32, #tpu.memory_space<vmem>>) offsets(%arg6 : memref<1024xi32, #tpu.memory_space<vmem>>) semaphore(%arg15 : memref<!tpu.dma_semaphore, #tpu.memory_space<semaphore_mem>>)
      %dma_start3A_38 = arith.constant 0 : i32
      %dma_start3A_39 = tpu.memref_slice %arg11[%dma_start3A_38] : memref<1000000xf32, #tpu.memory_space<vmem_shared>> -> memref<1000000xf32, #tpu.memory_space<vmem_shared>>
      tpu.enqueue_indirect_dma source(%dma_start3A_39 : memref<1000000xf32, #tpu.memory_space<vmem_shared>>) target(%arg9 : memref<1024xf32, #tpu.memory_space<vmem>>) offsets(%arg7 : memref<1024xi32, #tpu.memory_space<vmem>>) semaphore(%arg16 : memref<!tpu.dma_semaphore, #tpu.memory_space<semaphore_mem>>)
      %dma_wait3A = arith.constant 0 : i32
      %dma_wait3A_40 = tpu.memref_slice %arg11[%dma_wait3A] : memref<1000000xf32, #tpu.memory_space<vmem_shared>> -> memref<1000000xf32, #tpu.memory_space<vmem_shared>>
      tpu.wait_indirect_dma semaphore(%arg15 : memref<!tpu.dma_semaphore, #tpu.memory_space<semaphore_mem>>) src(%dma_wait3A_40 : memref<1000000xf32, #tpu.memory_space<vmem_shared>>) dst(%arg8 : memref<1024xf32, #tpu.memory_space<vmem>>)
      %dma_wait3A_41 = arith.constant 0 : i32
      %dma_wait3A_42 = tpu.memref_slice %arg11[%dma_wait3A_41] : memref<1000000xf32, #tpu.memory_space<vmem_shared>> -> memref<1000000xf32, #tpu.memory_space<vmem_shared>>
      tpu.wait_indirect_dma semaphore(%arg16 : memref<!tpu.dma_semaphore, #tpu.memory_space<semaphore_mem>>) src(%dma_wait3A_42 : memref<1000000xf32, #tpu.memory_space<vmem_shared>>) dst(%arg9 : memref<1024xf32, #tpu.memory_space<vmem>>)
      %scan3A_43 = arith.constant 0 : i32
      %scan3A_44 = arith.constant 0 : i32
      %scan3A_45 = arith.constant 64 : i32
      %scan3A_46 = arith.addi %scan3A_44, %scan3A_45 : i32
      %scan3A_47 = arith.constant 1 : i32
      scf.for %scan3A_86 = %scan3A_44 to %scan3A_46 step %scan3A_47  : i32 {
        %mul3A_87 = arith.constant 16 : i32
        %mul3A_88 = arith.muli %scan3A_86, %mul3A_87 : i32
        %get3A = arith.index_cast %mul3A_88 : i32 to index
        %get3A_89 = tpu.vector_load %arg10[%get3A] {strides = array<i32>} : memref<1024xf32, #tpu.memory_space<vmem>>, vector<16xf32>,
        %get3A_90 = vector.shape_cast %get3A_89 : vector<16xf32> to vector<16xf32>
        %get3A_91 = arith.index_cast %mul3A_88 : i32 to index
        %get3A_92 = tpu.vector_load %arg8[%get3A_91] {strides = array<i32>} : memref<1024xf32, #tpu.memory_space<vmem>>, vector<16xf32>,
        %get3A_93 = vector.shape_cast %get3A_92 : vector<16xf32> to vector<16xf32>
        %get3A_94 = arith.index_cast %mul3A_88 : i32 to index
        %get3A_95 = tpu.vector_load %arg9[%get3A_94] {strides = array<i32>} : memref<1024xf32, #tpu.memory_space<vmem>>, vector<16xf32>,
        %get3A_96 = vector.shape_cast %get3A_95 : vector<16xf32> to vector<16xf32>
        %mul3A_97 = arith.mulf %get3A_93, %get3A_96 : vector<16xf32>
        %add3A_98 = arith.addf %get3A_90, %mul3A_97 : vector<16xf32>
        %swap3A = arith.index_cast %mul3A_88 : i32 to index
        %swap3A_99 = tpu.vector_load %arg10[%swap3A] {strides = array<i32>} : memref<1024xf32, #tpu.memory_space<vmem>>, vector<16xf32>,
        %swap3A_100 = vector.shape_cast %swap3A_99 : vector<16xf32> to vector<16xf32>
        %swap3A_101 = vector.shape_cast %add3A_98 : vector<16xf32> to vector<16xf32>
        tpu.vector_store %arg10[%swap3A], %swap3A_101 {strides = array<i32>} : memref<1024xf32, #tpu.memory_space<vmem>>, vector<16xf32>,
      }
      %scan3A_48 = arith.constant 64 : i32
      %barrier3A_49 = arith.constant 0 : index
      tpu.barrier barrier_id(%barrier3A_49)
      %mul3A_50 = arith.constant 2 : i32
      %mul3A_51 = arith.muli %mul3A_50, %scan3A_18 : i32
      %add3A_52 = arith.constant 1 : i32
      %add3A_53 = arith.addi %mul3A_51, %add3A_52 : i32
      %add3A_54 = arith.addi %mul3A_7, %add3A_53 : i32
      %eq3A_55 = arith.constant 0 : i32
      %eq3A_56 = arith.cmpi eq, %arg1, %eq3A_55 : i32
      %convert_element_type3A_57 = arith.extui %eq3A_56 : i1 to i32
      %cond3A_58 = arith.constant 0 : i32
      %cond3A_59 = arith.cmpi ne, %convert_element_type3A_57, %cond3A_58 : i32
      scf.if %cond3A_59 {
        %dma_wait3A_86 = arith.constant 0 : i32
        %dma_wait3A_87 = tpu.memref_slice %arg4[%add3A_54, %dma_wait3A_86] : memref<64x1000000xf32, #tpu.memory_space<hbm>> -> memref<1x1000000xf32, #tpu.memory_space<hbm>>
        %dma_wait3A_88 = tpu.memref_squeeze %dma_wait3A_87 : memref<1x1000000xf32, #tpu.memory_space<hbm>> -> memref<1000000xf32, #tpu.memory_space<hbm>>
        tpu.wait_dma2 semaphore(%arg14 : memref<!tpu.dma_semaphore, #tpu.memory_space<semaphore_mem>>) src(%dma_wait3A_88 : memref<1000000xf32, #tpu.memory_space<hbm>>) dst(%arg12 : memref<1000000xf32, #tpu.memory_space<vmem_shared>>)
      } else {
      }
      %barrier3A_60 = arith.constant 0 : index
      tpu.barrier barrier_id(%barrier3A_60)
      %eq3A_61 = arith.constant 0 : i32
      %eq3A_62 = arith.cmpi eq, %arg1, %eq3A_61 : i32
      %add3A_63 = arith.constant 1 : i32
      %add3A_64 = arith.addi %add3A_53, %add3A_63 : i32
      %lt3A_65 = arith.constant 32 : i32
      %lt3A_66 = arith.cmpi slt, %add3A_64, %lt3A_65 : i32
      %and3A_67 = arith.andi %eq3A_62, %lt3A_66 : i1
      %convert_element_type3A_68 = arith.extui %and3A_67 : i1 to i32
      %cond3A_69 = arith.constant 0 : i32
      %cond3A_70 = arith.cmpi ne, %convert_element_type3A_68, %cond3A_69 : i32
      scf.if %cond3A_70 {
        %add3A_86 = arith.constant 1 : i32
        %add3A_87 = arith.addi %add3A_54, %add3A_86 : i32
        %dma_start3A_88 = arith.constant 0 : i32
        %dma_start3A_89 = tpu.memref_slice %arg4[%add3A_87, %dma_start3A_88] : memref<64x1000000xf32, #tpu.memory_space<hbm>> -> memref<1x1000000xf32, #tpu.memory_space<hbm>>
        %dma_start3A_90 = tpu.memref_squeeze %dma_start3A_89 : memref<1x1000000xf32, #tpu.memory_space<hbm>> -> memref<1000000xf32, #tpu.memory_space<hbm>>
        tpu.enqueue_dma source(%dma_start3A_90 : memref<1000000xf32, #tpu.memory_space<hbm>>) target(%arg11 : memref<1000000xf32, #tpu.memory_space<vmem_shared>>) target_semaphore(%arg13 : memref<!tpu.dma_semaphore, #tpu.memory_space<semaphore_mem>>)
      } else {
      }
      %dma_start3A_71 = arith.constant 0 : i32
      %dma_start3A_72 = tpu.memref_slice %arg12[%dma_start3A_71] : memref<1000000xf32, #tpu.memory_space<vmem_shared>> -> memref<1000000xf32, #tpu.memory_space<vmem_shared>>
      tpu.enqueue_indirect_dma source(%dma_start3A_72 : memref<1000000xf32, #tpu.memory_space<vmem_shared>>) target(%arg8 : memref<1024xf32, #tpu.memory_space<vmem>>) offsets(%arg6 : memref<1024xi32, #tpu.memory_space<vmem>>) semaphore(%arg15 : memref<!tpu.dma_semaphore, #tpu.memory_space<semaphore_mem>>)
      %dma_start3A_73 = arith.constant 0 : i32
      %dma_start3A_74 = tpu.memref_slice %arg12[%dma_start3A_73] : memref<1000000xf32, #tpu.memory_space<vmem_shared>> -> memref<1000000xf32, #tpu.memory_space<vmem_shared>>
      tpu.enqueue_indirect_dma source(%dma_start3A_74 : memref<1000000xf32, #tpu.memory_space<vmem_shared>>) target(%arg9 : memref<1024xf32, #tpu.memory_space<vmem>>) offsets(%arg7 : memref<1024xi32, #tpu.memory_space<vmem>>) semaphore(%arg16 : memref<!tpu.dma_semaphore, #tpu.memory_space<semaphore_mem>>)
      %dma_wait3A_75 = arith.constant 0 : i32
      %dma_wait3A_76 = tpu.memref_slice %arg12[%dma_wait3A_75] : memref<1000000xf32, #tpu.memory_space<vmem_shared>> -> memref<1000000xf32, #tpu.memory_space<vmem_shared>>
      tpu.wait_indirect_dma semaphore(%arg15 : memref<!tpu.dma_semaphore, #tpu.memory_space<semaphore_mem>>) src(%dma_wait3A_76 : memref<1000000xf32, #tpu.memory_space<vmem_shared>>) dst(%arg8 : memref<1024xf32, #tpu.memory_space<vmem>>)
      %dma_wait3A_77 = arith.constant 0 : i32
      %dma_wait3A_78 = tpu.memref_slice %arg12[%dma_wait3A_77] : memref<1000000xf32, #tpu.memory_space<vmem_shared>> -> memref<1000000xf32, #tpu.memory_space<vmem_shared>>
      tpu.wait_indirect_dma semaphore(%arg16 : memref<!tpu.dma_semaphore, #tpu.memory_space<semaphore_mem>>) src(%dma_wait3A_78 : memref<1000000xf32, #tpu.memory_space<vmem_shared>>) dst(%arg9 : memref<1024xf32, #tpu.memory_space<vmem>>)
      %scan3A_79 = arith.constant 0 : i32
      %scan3A_80 = arith.constant 0 : i32
      %scan3A_81 = arith.constant 64 : i32
      %scan3A_82 = arith.addi %scan3A_80, %scan3A_81 : i32
      %scan3A_83 = arith.constant 1 : i32
      scf.for %scan3A_86 = %scan3A_80 to %scan3A_82 step %scan3A_83  : i32 {
        %mul3A_87 = arith.constant 16 : i32
        %mul3A_88 = arith.muli %scan3A_86, %mul3A_87 : i32
        %get3A = arith.index_cast %mul3A_88 : i32 to index
        %get3A_89 = tpu.vector_load %arg10[%get3A] {strides = array<i32>} : memref<1024xf32, #tpu.memory_space<vmem>>, vector<16xf32>,
        %get3A_90 = vector.shape_cast %get3A_89 : vector<16xf32> to vector<16xf32>
        %get3A_91 = arith.index_cast %mul3A_88 : i32 to index
        %get3A_92 = tpu.vector_load %arg8[%get3A_91] {strides = array<i32>} : memref<1024xf32, #tpu.memory_space<vmem>>, vector<16xf32>,
        %get3A_93 = vector.shape_cast %get3A_92 : vector<16xf32> to vector<16xf32>
        %get3A_94 = arith.index_cast %mul3A_88 : i32 to index
        %get3A_95 = tpu.vector_load %arg9[%get3A_94] {strides = array<i32>} : memref<1024xf32, #tpu.memory_space<vmem>>, vector<16xf32>,
        %get3A_96 = vector.shape_cast %get3A_95 : vector<16xf32> to vector<16xf32>
        %mul3A_97 = arith.mulf %get3A_93, %get3A_96 : vector<16xf32>
        %add3A_98 = arith.addf %get3A_90, %mul3A_97 : vector<16xf32>
        %swap3A = arith.index_cast %mul3A_88 : i32 to index
        %swap3A_99 = tpu.vector_load %arg10[%swap3A] {strides = array<i32>} : memref<1024xf32, #tpu.memory_space<vmem>>, vector<16xf32>,
        %swap3A_100 = vector.shape_cast %swap3A_99 : vector<16xf32> to vector<16xf32>
        %swap3A_101 = vector.shape_cast %add3A_98 : vector<16xf32> to vector<16xf32>
        tpu.vector_store %arg10[%swap3A], %swap3A_101 {strides = array<i32>} : memref<1024xf32, #tpu.memory_space<vmem>>, vector<16xf32>,
      }
      %scan3A_84 = arith.constant 64 : i32
      %barrier3A_85 = arith.constant 0 : index
      tpu.barrier barrier_id(%barrier3A_85)
    }
    %scan3A_15 = arith.constant 16 : i32
    %mul3A_16 = arith.constant 16384 : i32
    %mul3A_17 = arith.muli %arg0, %mul3A_16 : i32
    %add3A = arith.addi %mul3A_17, %mul3A_0 : i32
    "tpu.region"() ({
      %run_scoped3A = tpu.sem_alloc : memref<!tpu.dma_semaphore, #tpu.memory_space<semaphore_mem>>
      %dma_start3A = tpu.memref_slice %arg5[%add3A] : memref<32768xf32, #tpu.memory_space<hbm>> -> memref<1024xf32, #tpu.memory_space<hbm>>
      %dma_start3A_18 = tpu.memref_slice %arg5[%add3A] : memref<32768xf32, #tpu.memory_space<hbm>> -> memref<1024xf32, #tpu.memory_space<hbm>>
      tpu.enqueue_dma source(%arg10 : memref<1024xf32, #tpu.memory_space<vmem>>) target(%dma_start3A_18 : memref<1024xf32, #tpu.memory_space<hbm>>) target_semaphore(%run_scoped3A : memref<!tpu.dma_semaphore, #tpu.memory_space<semaphore_mem>>)
      %dma_wait3A = tpu.memref_slice %arg5[%add3A] : memref<32768xf32, #tpu.memory_space<hbm>> -> memref<1024xf32, #tpu.memory_space<hbm>>
      %dma_wait3A_19 = tpu.memref_slice %arg5[%add3A] : memref<32768xf32, #tpu.memory_space<hbm>> -> memref<1024xf32, #tpu.memory_space<hbm>>
      tpu.wait_dma2 semaphore(%run_scoped3A : memref<!tpu.dma_semaphore, #tpu.memory_space<semaphore_mem>>) src(%arg10 : memref<1024xf32, #tpu.memory_space<vmem>>) dst(%dma_wait3A_19 : memref<1024xf32, #tpu.memory_space<hbm>>)
      tpu.yield
    }) : () -> ()
    return
  }
}

#map = affine_map<(d0, d1) -> (0)>
module attributes {stable_mosaic.version = 14 : i64} {
  func.func @cmb_k(%arg0: i32, %arg1: i32, %arg2: memref<32768xf32, #tpu.memory_space<hbm>>, %arg3: memref<16384xf32, #tpu.memory_space<hbm>>, %arg4: memref<512xf32, #tpu.memory_space<vmem>>, %arg5: memref<512xf32, #tpu.memory_space<vmem>>) attributes {dimension_semantics = [#tpu.dimension_semantics<core_parallel>, #tpu.dimension_semantics<subcore_parallel>], iteration_bounds = array<i64: 2, 16>, scalar_prefetch = 0 : i64, scratch_operands = 2 : i64, tpu.core_type = #tpu.core_type<sc_vector_subcore>, window_params = [{transform_indices = #map}, {transform_indices = #map}]} {
    %mul3A = arith.constant 2 : i32
    %mul3A_0 = arith.muli %arg1, %mul3A : i32
    %add3A = arith.addi %mul3A_0, %arg0 : i32
    %mul3A_1 = arith.constant 512 : i32
    %mul3A_2 = arith.muli %add3A, %mul3A_1 : i32
    "tpu.region"() ({
      %run_scoped3A = tpu.sem_alloc : memref<!tpu.dma_semaphore, #tpu.memory_space<semaphore_mem>>
      %dma_start3A = tpu.memref_slice %arg2[%mul3A_2] : memref<32768xf32, #tpu.memory_space<hbm>> -> memref<512xf32, #tpu.memory_space<hbm>>
      %dma_start3A_10 = tpu.memref_slice %arg2[%mul3A_2] : memref<32768xf32, #tpu.memory_space<hbm>> -> memref<512xf32, #tpu.memory_space<hbm>>
      tpu.enqueue_dma source(%dma_start3A_10 : memref<512xf32, #tpu.memory_space<hbm>>) target(%arg4 : memref<512xf32, #tpu.memory_space<vmem>>) target_semaphore(%run_scoped3A : memref<!tpu.dma_semaphore, #tpu.memory_space<semaphore_mem>>)
      %dma_wait3A = tpu.memref_slice %arg2[%mul3A_2] : memref<32768xf32, #tpu.memory_space<hbm>> -> memref<512xf32, #tpu.memory_space<hbm>>
      %dma_wait3A_11 = tpu.memref_slice %arg2[%mul3A_2] : memref<32768xf32, #tpu.memory_space<hbm>> -> memref<512xf32, #tpu.memory_space<hbm>>
      tpu.wait_dma2 semaphore(%run_scoped3A : memref<!tpu.dma_semaphore, #tpu.memory_space<semaphore_mem>>) src(%dma_wait3A_11 : memref<512xf32, #tpu.memory_space<hbm>>) dst(%arg4 : memref<512xf32, #tpu.memory_space<vmem>>)
      tpu.yield
    }) : () -> ()
    %add3A_3 = arith.constant 16384 : i32
    %add3A_4 = arith.addi %add3A_3, %mul3A_2 : i32
    "tpu.region"() ({
      %run_scoped3A = tpu.sem_alloc : memref<!tpu.dma_semaphore, #tpu.memory_space<semaphore_mem>>
      %dma_start3A = tpu.memref_slice %arg2[%add3A_4] : memref<32768xf32, #tpu.memory_space<hbm>> -> memref<512xf32, #tpu.memory_space<hbm>>
      %dma_start3A_10 = tpu.memref_slice %arg2[%add3A_4] : memref<32768xf32, #tpu.memory_space<hbm>> -> memref<512xf32, #tpu.memory_space<hbm>>
      tpu.enqueue_dma source(%dma_start3A_10 : memref<512xf32, #tpu.memory_space<hbm>>) target(%arg5 : memref<512xf32, #tpu.memory_space<vmem>>) target_semaphore(%run_scoped3A : memref<!tpu.dma_semaphore, #tpu.memory_space<semaphore_mem>>)
      %dma_wait3A = tpu.memref_slice %arg2[%add3A_4] : memref<32768xf32, #tpu.memory_space<hbm>> -> memref<512xf32, #tpu.memory_space<hbm>>
      %dma_wait3A_11 = tpu.memref_slice %arg2[%add3A_4] : memref<32768xf32, #tpu.memory_space<hbm>> -> memref<512xf32, #tpu.memory_space<hbm>>
      tpu.wait_dma2 semaphore(%run_scoped3A : memref<!tpu.dma_semaphore, #tpu.memory_space<semaphore_mem>>) src(%dma_wait3A_11 : memref<512xf32, #tpu.memory_space<hbm>>) dst(%arg5 : memref<512xf32, #tpu.memory_space<vmem>>)
      tpu.yield
    }) : () -> ()
    %scan3A = arith.constant 0 : i32
    %scan3A_5 = arith.constant 0 : i32
    %scan3A_6 = arith.constant 32 : i32
    %scan3A_7 = arith.addi %scan3A_5, %scan3A_6 : i32
    %scan3A_8 = arith.constant 1 : i32
    scf.for %scan3A_10 = %scan3A_5 to %scan3A_7 step %scan3A_8  : i32 {
      %mul3A_11 = arith.constant 16 : i32
      %mul3A_12 = arith.muli %scan3A_10, %mul3A_11 : i32
      %get3A = arith.index_cast %mul3A_12 : i32 to index
      %get3A_13 = tpu.vector_load %arg4[%get3A] {strides = array<i32>} : memref<512xf32, #tpu.memory_space<vmem>>, vector<16xf32>,
      %get3A_14 = vector.shape_cast %get3A_13 : vector<16xf32> to vector<16xf32>
      %get3A_15 = arith.index_cast %mul3A_12 : i32 to index
      %get3A_16 = tpu.vector_load %arg5[%get3A_15] {strides = array<i32>} : memref<512xf32, #tpu.memory_space<vmem>>, vector<16xf32>,
      %get3A_17 = vector.shape_cast %get3A_16 : vector<16xf32> to vector<16xf32>
      %add3A_18 = arith.addf %get3A_14, %get3A_17 : vector<16xf32>
      %neg3A = arith.constant 0.000000e+00 : f32
      %neg3A_19 = vector.broadcast %neg3A : f32 to vector<16xf32>
      %neg3A_20 = arith.subf %neg3A_19, %add3A_18 : vector<16xf32>
      %exp3A = math.exp %neg3A_20 : vector<16xf32>
      %add3A_21 = arith.constant 1.000000e+00 : f32
      %add3A_22 = vector.broadcast %add3A_21 : f32 to vector<16xf32>
      %add3A_23 = arith.addf %add3A_22, %exp3A : vector<16xf32>
      %div3A = arith.constant 1.000000e+00 : f32
      %div3A_24 = vector.broadcast %div3A : f32 to vector<16xf32>
      %div3A_25 = arith.divf %div3A_24, %add3A_23 : vector<16xf32>
      %swap3A = arith.index_cast %mul3A_12 : i32 to index
      %swap3A_26 = tpu.vector_load %arg4[%swap3A] {strides = array<i32>} : memref<512xf32, #tpu.memory_space<vmem>>, vector<16xf32>,
      %swap3A_27 = vector.shape_cast %swap3A_26 : vector<16xf32> to vector<16xf32>
      %swap3A_28 = vector.shape_cast %div3A_25 : vector<16xf32> to vector<16xf32>
      tpu.vector_store %arg4[%swap3A], %swap3A_28 {strides = array<i32>} : memref<512xf32, #tpu.memory_space<vmem>>, vector<16xf32>,
    }
    %scan3A_9 = arith.constant 32 : i32
    "tpu.region"() ({
      %run_scoped3A = tpu.sem_alloc : memref<!tpu.dma_semaphore, #tpu.memory_space<semaphore_mem>>
      %dma_start3A = tpu.memref_slice %arg3[%mul3A_2] : memref<16384xf32, #tpu.memory_space<hbm>> -> memref<512xf32, #tpu.memory_space<hbm>>
      %dma_start3A_10 = tpu.memref_slice %arg3[%mul3A_2] : memref<16384xf32, #tpu.memory_space<hbm>> -> memref<512xf32, #tpu.memory_space<hbm>>
      tpu.enqueue_dma source(%arg4 : memref<512xf32, #tpu.memory_space<vmem>>) target(%dma_start3A_10 : memref<512xf32, #tpu.memory_space<hbm>>) target_semaphore(%run_scoped3A : memref<!tpu.dma_semaphore, #tpu.memory_space<semaphore_mem>>)
      %dma_wait3A = tpu.memref_slice %arg3[%mul3A_2] : memref<16384xf32, #tpu.memory_space<hbm>> -> memref<512xf32, #tpu.memory_space<hbm>>
      %dma_wait3A_11 = tpu.memref_slice %arg3[%mul3A_2] : memref<16384xf32, #tpu.memory_space<hbm>> -> memref<512xf32, #tpu.memory_space<hbm>>
      tpu.wait_dma2 semaphore(%run_scoped3A : memref<!tpu.dma_semaphore, #tpu.memory_space<semaphore_mem>>) src(%arg4 : memref<512xf32, #tpu.memory_space<vmem>>) dst(%dma_wait3A_11 : memref<512xf32, #tpu.memory_space<hbm>>)
      tpu.yield
    }) : () -> ()
    return
  }
}

</mosaic_0001>

<sc_bundles>
// kernel: kernel.4.cloned.1.call-start
scs
__scs_entry_jumppad:
0x0: {  	(pc) =	sbr.rel $0x88, $3  }
0x1: {  	(tag) =	ssettag $0x0;
	lr =	simm.s32 $0x1  }
0x2: {  	[smem:$0x3F9F] =	sst lr;
	_ =	strace $0xD0000000  }
0x3: {  	_ = 	snop  }
0x4: {  	_ = 	snop  }
0x5: {  	_ = 	snop  }
0x6: {  	_ = 	snop  }
0x7: {  	_ = 	snop  }
__scs_overlays_trampoline_lowered:
0x8: {  	[smem:$0x3FAE] =	sst s0  }
0x9: {  	[smem:$0x3FAF] =	sst s1  }
0xa: {  	[smem:$0x3FB0] =	sst s2  }
0xb: {  	[smem:$0x3FB1] =	sst s3  }
0xc: {  	[smem:$0x3FB2] =	sst s4  }
0xd: {  	[smem:$0x3FB3] =	sst s5  }
0xe: {  	[smem:$0x3FB4] =	sst s6  }
0xf: {  	[smem:$0x3FB5] =	sst s7  }
0x10: {  	[smem:$0x3FB6] =	sst s8  }
0x11: {  	[smem:$0x3FB7] =	sst s9;
	s0 =	simm.s32 @!p0 $0x0  }
0x12: {  	s1 =	sld [smem:$0x3F9D];
	s0 =	simm.s32 @p0 $0x1  }
0x13: {  	[smem:$0x3FB8] =	sst s0;
	s0 =	simm.s32 @!p1 $0x0  }
0x14: {  	s2 =	sld [smem:$0x3F9C];
	s0 =	simm.s32 @p1 $0x1  }
0x15: {  	[smem:$0x3FB9] =	sst s0;
	s0 =	simm.s32 @!p2 $0x0  }
0x16: {  	s3 =	sld [smem:$0x3FDB];
	s0 =	simm.s32 @p2 $0x1  }
0x17: {  	s4 =	simm.s32 $0x1BF5;
	[smem:$0x3FBB] =	sst s0  }
0x18: {  	s0 =	sld [smem:$0x3F9E];
	_ =	swait.ge [sflag:s4], $0x0  }
0x19: {  	s7 =	sld [smem:$0x3F9F]  }
0x1a: {  	s8 =	sadd.s32 $0xFFFFE003, lr  }
0x1b: {  	s9 =	sadd.s32 $0xFFFFFEF7, lr;
	s5 =	simm.s32 $0xFFFFFFFF;
	p2 =	slt.u32 s8, $0xFFFFF086  }
0x1c: {  	p1 =	slt.u32 s9, $0xF7A;
	s5 =	simm.s32 @!p2 $0x0  }
0x1d: {  	s5 =	simm.s32 @p1 $0x1;
	p0 =	seq.s32 s7, s2  }
0x1e: {  	s7 =	smul.u32 @!p0 $0xF7A, s2;
	p2 =	seq.s32 @!p0 s5, $0x0  }
0x1f: {  	s9 =	smul.u32 $0xF7A, s1;
	s8 =	simm.s32 @!p0 $0x1BF5;
	p2 =	por !p2, p0  }
0x20: {  	[sflag:s8] =	ssyncset.s32 @!p0 $0xFFFFF086;
	s6 =	sadd.s32 @!p0 s3, s7;
	s7 =	simm.s32 @!p0 $0x108  }
0x21: {  	s3 =	sadd.s32 s3, s9;
	s6 =	sadd.s32 @!p0 $0x88, s6;
	s7 =	simm.s32 @p2 $0x1082  }
0x22: {  	[simem:s7], [sflag:s8] =	dma.local @!p0 [hbm:s6], $0xF7A  }
0x23: {  	s9 =	sor.u32 $0xD0000000, s2;
	s6 =	simm.s32 $0x108;
	_ =	swait.ge @!p0 [sflag:s8], $0x0  }
0x24: {  	s3 =	sadd.s32 $0x88, s3;
	s6 =	simm.s32 @!p1 $0x1082;
	[sflag:s4] =	ssyncset.s32 $0xFFFFF086  }
0x25: {  	[simem:s6], [sflag:s4] =	dma.local [hbm:s3], $0xF7A  }
0x26: {  	[smem:$0x3F9F] =	sst s1;
	(tag) =	ssettag s2;
	_ =	strace s9  }
0x27: {  	s1 =	sld [smem:$0x3FAF]  }
0x28: {  	s2 =	sld [smem:$0x3FB0]  }
0x29: {  	s4 =	sld [smem:$0x3FB2]  }
0x2a: {  	p0 =	seq.s32 s5, $0x0;
	s5 =	sld [smem:$0x3FB3]  }
0x2b: {  	s6 =	sld [smem:$0x3FB4]  }
0x2c: {  	s7 =	sld [smem:$0x3FB5]  }
0x2d: {  	s3 =	simm.s32 $0x108;
	s8 =	sld [smem:$0x3FB6]  }
0x2e: {  	s3 =	simm.s32 @!p0 $0x1082;
	s9 =	sld [smem:$0x3FB7]  }
0x2f: {  	lr =	sadd.s32 s0, s3;
	s0 =	sld [smem:$0x3FAE]  }
0x30: {  	s3 =	sld [smem:$0x3FB1]  }
0x31: {  	[smem:$0x3FBA] =	sst s10  }
0x32: {  	s10 =	sld [smem:$0x3FB8];
	_ =	sdelay $0x3  }
0x33: {  	p0 =	seq.s32 s10, $0x1;
	s10 =	sld [smem:$0x3FBA];
	_ =	sdelay $0x3  }
0x34: {  	[smem:$0x3FBA] =	sst s10  }
0x35: {  	s10 =	sld [smem:$0x3FB9];
	_ =	sdelay $0x3  }
0x36: {  	p1 =	seq.s32 s10, $0x1;
	s10 =	sld [smem:$0x3FBA];
	_ =	sdelay $0x3  }
0x37: {  	[smem:$0x3FBA] =	sst s10  }
0x38: {  	s10 =	sld [smem:$0x3FBB]  }
0x39: {  	_ = 	snop;
	(pc) =	sbr.ind lr, $3  }
0x3a: {  	_ = 	snop  }
0x3b: {  	_ = 	snop  }
0x3c: {  	p2 =	seq.s32 s10, $0x1;
	s10 =	sld [smem:$0x3FBA]  }
0x3d: {  	_ =	shalt  }
0x3e: {  	_ =	shalt  }
0x3f: {  	_ =	shalt  }
0x40: {  	_ =	shalt  }
0x41: {  	_ =	shalt  }
0x42: {  	_ =	shalt  }
0x43: {  	_ =	shalt  }
0x44: {  	_ =	shalt  }
0x45: {  	_ =	shalt  }
0x46: {  	_ =	shalt  }
0x47: {  	_ =	shalt  }
0x48: {  	_ =	shalt  }
0x49: {  	_ =	shalt  }
0x4a: {  	_ =	shalt  }
0x4b: {  	_ =	shalt  }
0x4c: {  	_ =	shalt  }
0x4d: {  	_ =	shalt  }
0x4e: {  	_ =	shalt  }
0x4f: {  	_ =	shalt  }
0x50: {  	_ =	shalt  }
0x51: {  	_ =	shalt  }
0x52: {  	_ =	shalt  }
0x53: {  	_ =	shalt  }
0x54: {  	_ =	shalt  }
0x55: {  	_ =	shalt  }
0x56: {  	_ =	shalt  }
0x57: {  	_ =	shalt  }
0x58: {  	_ =	shalt  }
0x59: {  	_ =	shalt  }
0x5a: {  	_ =	shalt  }
0x5b: {  	_ =	shalt  }
0x5c: {  	_ =	shalt  }
0x5d: {  	_ =	shalt  }
0x5e: {  	_ =	shalt  }
0x5f: {  	_ =	shalt  }
0x60: {  	_ =	shalt  }
0x61: {  	_ =	shalt  }
0x62: {  	_ =	shalt  }
0x63: {  	_ =	shalt  }
0x64: {  	_ =	shalt  }
0x65: {  	_ =	shalt  }
0x66: {  	_ =	shalt  }
0x67: {  	_ =	shalt  }
0x68: {  	_ =	shalt  }
0x69: {  	_ =	shalt  }
0x6a: {  	_ =	shalt  }
0x6b: {  	_ =	shalt  }
0x6c: {  	_ =	shalt  }
0x6d: {  	_ =	shalt  }
0x6e: {  	_ =	shalt  }
0x6f: {  	_ =	shalt  }
0x70: {  	_ =	shalt  }
0x71: {  	_ =	shalt  }
0x72: {  	_ =	shalt  }
0x73: {  	_ =	shalt  }
0x74: {  	_ =	shalt  }
0x75: {  	_ =	shalt  }
0x76: {  	_ =	shalt  }
0x77: {  	_ =	shalt  }
0x78: {  	_ =	shalt  }
0x79: {  	_ =	shalt  }
0x7a: {  	_ =	shalt  }
0x7b: {  	_ =	shalt  }
0x7c: {  	_ =	shalt  }
0x7d: {  	_ =	shalt  }
0x7e: {  	_ =	shalt  }
0x7f: {  	_ =	shalt  }
0x80: {  	_ =	shalt  }
0x81: {  	_ =	shalt  }
0x82: {  	_ =	shalt  }
0x83: {  	_ =	shalt  }
0x84: {  	_ =	shalt  }
0x85: {  	_ =	shalt  }
0x86: {  	_ =	shalt  }
0x87: {  	_ =	shalt  }
.Lfunc_end0:
.L_simem_size_0:
called_computation_lowered:
.L_overlay_start_0:
0x88: {  	s2 =	sld [smem:$0x3FD9]  }
0x89: {  	s3 =	sld [smem:$0x3FFE];
	_ =	sdelay $0x1  }
0x8a: {  	s1 =	srdreg.scid  }
0x8b: {  	s0 =	sand.u32 $0x1, s1  }
0x8c: {  	s17 =	sshll.u32 s0, $0xA;
	s2 =	sadd.s32 s3, s2  }
0x8d: {  	s2 =	sadd.s32 s2, s17  }
0x8e: {  	[smem:$0x3FC6] =	sst s2  }
0x8f: {  	_ = 	snop  }
0x90: {  	s2 =	sld [smem:$0x3FC8]  }
0x91: {  	s18 =	sld [smem:$0x3FD0];
	(tm) =	ssettm $0x1  }
0x92: {  	s4 =	sld [smem:$0x3FFB];
	_ =	sdelay $0x3  }
0x93: {  	_ =	strace s4  }
0x94: {  	s4 =	sld [smem:$0x3FFC];
	_ =	sdelay $0x3  }
0x95: {  	_ =	strace s4  }
0x96: {  	s4 =	sld [smem:$0x3FFD];
	_ =	sdelay $0x3  }
0x97: {  	_ =	strace s4  }
0x98: {  	_ =	strace $0x8FFFFFFF  }
0x99: {  	s19 =	sld [smem:$0x3FDB];
	_ =	sdelay $0x1  }
0x9a: {  	s5 =	simm.s32 $_scs_section_size  }
0x9b: {  	s6 =	simm.s32 $_size__tile_overlayer_lowered;
	s7 =	simm.s32 $_tile_overlayer_lowered  }
0x9c: {  	s22 =	simm.s32 $0x1BFF;
	s21 =	sshll.u32 s7, $0x1;
	s4 =	sadd.s32 s5, s19  }
0x9d: {  	s8 =	simm.s32 $0x0;
	s20 =	sshll.u32 s6, $0x1;
	s6 =	sadd.s32 s21, s4  }
0x9e: {  	[timem:s8], [sflag:s22] =	dma.local [hbm:s6], s20  }
0x9f: {  	_ =	swait.ge [sflag:s22], s20  }
0xa0: {  	s5 =	ssub.s32 $0x0, s20;
	[sflag:s22] =	ssyncset.done $0x0  }
0xa1: {  	[sflag:s22] =	ssyncadd.s32 s5;
	_ =	sdelay $0x1  }
0xa2: {  	s23 =	simm.s32 $0x1B8B  }
0xa3: {  	_ =	swait.ge [sflag:s23], $0x1  }
0xa4: {  	[sflag:s23] =	ssyncset.done $0x0  }
0xa5: {  	s25 =	simm.s32 $0x1B8E;
	s24 =	sld [smem:$0x3FFE];
	[sflag:s23] =	ssyncadd.s32 $0xFFFFFFFF  }
0xa6: {  	s26 =	simm.s32 $execute0_lowered;
	[smem:$0x3FD2] =	sst s25  }
0xa7: {  	s6 =	sshll.u32 s26, $0x1;
	_ =	strace $0x80000046;
	[dreg:$0x1] =	wrdreg $0xFFFFFFFF  }
0xa8: {  	s28 =	simm.s32 $_size_execute0_lowered;
	s4 =	sadd.s32 s4, s6;
	[dreg:$0x0] =	wrdreg $0x0  }
0xa9: {  	s6 =	sshll.u32 s28, $0x1;
	[dreg:$0x2] =	wrdreg s4  }
0xaa: {  	[dreg:$0x3] =	wrdreg s6  }
0xab: {  	[dreg:$0x4] =	wrdreg $0xC0  }
0xac: {  	_ =	task [dreg:s8], $0x5FFFF  }
0xad: {  	[dreg:$0x1] =	wrdreg $0xFFFFFFFF  }
0xae: {  	[dreg:$0x0] =	wrdreg $0x60  }
0xaf: {  	[dreg:$0x2] =	wrdreg s24  }
0xb0: {  	[dreg:$0x3] =	wrdreg s18  }
0xb1: {  	[dreg:$0x4] =	wrdreg s2  }
0xb2: {  	[dreg:$0x5] =	wrdreg $0x14000  }
0xb3: {  	[dreg:$0x6] =	wrdreg $0x108280  }
0xb4: {  	[dreg:$0x7] =	wrdreg $0x9  }
0xb5: {  	_ =	task.clear_ibuf [dreg:s8], $0x8FFFF;
	_ =	strace $0x90000046  }
0xb6: {  	s29 =	simm.s32 $0x9;
	_ =	strace $0x80000048  }
0xb7: {  	_ =	swait.ge [sflag:s29], $0x1  }
0xb8: {  	[sflag:s29] =	ssyncadd.s32 $0xFFFFFFFF  }
0xb9: {  	_ =	strace $0x90000048  }
0xba: {  	_ =	sfence  }
0xbb: {  	s30 =	sld [smem:$0x0];
	_ =	sdelay $0x2  }
0xbc: {  	s31 =	sshll.u32 s1, $0xD;
	s1 =	sshrl.u32 s1, $0x2  }
0xbd: {  	s3 =	sand.u32 $0x4000, s31;
	s1 =	sadd.s32 s1, s30  }
0xbe: {  	s0 =	sor.u32 s3, s0;
	s1 =	sshll.u32 s1, $0x11  }
0xbf: {  	s0 =	sor.u32 s1, s0  }
0xc0: {  	s0 =	sadd.s32 $0x8F2B, s0  }
0xc1: {  	[sflag:s0] =	ssyncadd.remote.s32 $0x1  }
0xc2: {  	_ =	sfence.sel $0xFFFF  }
0xc3: {  	[dreg:$0x0] =	wrdreg $0xFFFFFFFF;
	(pc) =	sbr.abs _section_cstart, $3  }
0xc4: {  	[dreg:$0x1] =	wrdreg $0xFFFFFFFF  }
0xc5: {  	_ =	task.clear_ibuf [dreg:s8], $0x2FFFF;
	_ =	strace $0x9FFFFFFF  }
0xc6: {  	(tm) =	ssettm $0x7FFFFFFF  }
0xc7: {  	_ =	shalt  }
tec
execute0_lowered:
.L_overlay_start_1:
0x0: {  	(tag) =	ssettag $0x1  }
0x1: {  	s5 =	rddreg [dreg:$0x0]  }
0x2: {  	s6 =	rddreg [dreg:$0x1]  }
0x3: {  	s1 =	rddreg [dreg:$0x2]  }
0x4: {  	s2 =	rddreg [dreg:$0x3]  }
0x5: {  	s3 =	rddreg [dreg:$0x4];
	s4 =	srdreg.scid  }
0x6: {  	s0 =	rddreg [dreg:$0x5];
	s12 =	stileid.u32  }
0x7: {  	s15 =	simm.s32 $0x800;
	s16 =	simm.s32 $0xC00;
	s17 =	simm.s32 $0x3  }
0x8: {  	s18 =	simm.s32 $0x4;
	s19 =	simm.s32 $0x1000;
	s20 =	simm.s32 $0x0  }
0x9: {  	s7 =	sand.u32 $0x1, s4;
	s4 =	simm.s32 $0x0;
	s9 =	sshll.u32 s12, $0x7  }
0xa: {  	p0 =	sne.s32 s12, $0x0;
	p1 =	seq.s32 s12, $0x0;
	s12 =	simm.s32 $0x400  }
0xb: {  	s8 =	ssub.s32 $0x2, s7;
	[smem:$0x7FF] =	sst s4;
	s11 =	sadd.s32 s9, s5  }
0xc: {  	s30 =	smul.u32 $0x3D0A00, s7;
	s13 =	sshll.u32 s7, $0xB;
	s6 =	sadd.s32 s6, s9  }
0xd: {  	s7 =	sshll.u32 s7, $0x5;
	s14 =	sshrl.u32 @p1 s3, $0x3;
	s10 =	sshrl.u32 s8, $0x1  }
0xe: {  	_ =	strace $0x80000047;
	s5 =	sadd.s32 $0xA00, s11;
	s31 =	sadd.s32 s13, s11  }
0xf: {  	s11 =	simm.s32 $0x5;
	s13 =	sshrl.u32 @!p0 s2, $0x3;
	s10 =	ssub.s32 s8, s10  }
0x10: {  	v0 =	vimm.f32 $0.0e+00;
	s8 =	sadd.s32 s1, s30;
	s9 =	sadd.s32 $0x1200, s31;
	s10 =	smax.u32 s10, $0x1  }
.LBB2_1:
0x11: {  	[tilespmem:s4], [sflag:$0x5] =	stream.linear.gather [hbm4b:s5+s4], $0x400, $0x38;
	[tilespmem:$0x1FC50] =	vst v63  }
0x12: {  	_ =	swait.ge [sflag:s11], $0x400  }
0x13: {  	[sflag:s11] =	ssyncset.done $0x0  }
0x14: {  	[sflag:s11] =	ssyncadd.s32 $0xFFFFFC00  }
0x15: {  	[tilespmem:s12], [sflag:$0x5] =	stream.linear.gather [hbm4b:s6+s4], $0x400, $0x38;
	[tilespmem:$0x1FC50] =	vst v63  }
0x16: {  	_ =	swait.ge [sflag:s11], $0x400  }
0x17: {  	[sflag:s11] =	ssyncset.done $0x0  }
0x18: {  	s21 =	simm.s32 $0x40;
	s22 =	simm.s32 $0x0;
	[sflag:s11] =	ssyncadd.s32 $0xFFFFFC00  }
.LBB2_2:
0x19: {  	p2 =	sne.s32 s21, $0xFC0;
	[tilespmem:s22+$0x1000] =	vst v0;
	s22 =	smov.u32 s21;
	s21 =	sadd.s32 $0x40, s21  }
.Ltmp0:
0x1a: {  	(pc) =	sbr.rel @p2 .LBB2_2-.Ltmp0, $2  }
0x1b: {  	_ =	sdelay $0x2  }
0x1c: {  	s22 =	sshra.s32 s22, $0x2  }
0x1d: {  	s21 =	simm.s32 @!p0 $0x1  }
0x1e: {  	[tilespmem:s22+$0x1000] =	vst v0;
	s22 =	simm.s32 @!p0 $0x10;
	s23 =	simm.s32 @!p0 $0x80;
	s24 =	simm.s32 @!p0 $0x1C01  }
0x1f: {  	[spmem:s13@s22], [sflag:s24] =	dma.strided @!p0 [hbm:s8@s23], $0x1E850, s21, $0x10   }
0x20: {  	s21 =	simm.s32 $0x0;
	s22 =	simm.s32 $0x0  }
.LBB2_4:
0x21: {  	s23 =	sshll.u32 s22, $0x1  }
0x22: {  	s24 =	sor.u32 @p1 s7, s23  }
0x23: {  	s24 =	sshrl.u32 @p1 s24, $0x3  }
0x24: {  	s25 =	sshll.u32 @p1 s22, $0x8;
	s24 =	smul.u32 @p1 $0x7A1400, s24  }
0x25: {  	s26 =	simm.s32 @p1 $0x1;
	s25 =	sand.u32 @p1 $0x300, s25  }
0x26: {  	_ =	swait.ge @p1 [sflag:s26], $0x1E850;
	s24 =	sor.u32 @p1 s24, s25  }
0x27: {  	s28 =	simm.s32 @p1 $0x80;
	[sflag:s26] =	ssyncset.done @p1 $0x0;
	s24 =	sor.u32 @p1 $0x80, s24  }
0x28: {  	s29 =	simm.s32 @p1 $0x1C02;
	[sflag:s26] =	ssyncadd.s32 @p1 $0xFFFE17B0;
	s24 =	sshrl.u32 @p1 s24, $0x3  }
0x29: {  	[bflag:$0x0] =	sbarrier.arrive @p1 $0xFFFF;
	s25 =	simm.s32 @p1 $0x10;
	s24 =	sadd.s32 @p1 s1, s24  }
0x2a: {  	[spmem:s14@s25], [sflag:s29] =	dma.strided @p1 [hbm:s24@s28], $0x1E850, s26, $0x10   }
0x2b: {  	[bflag:$0x0] =	sbarrier.arrive @!p1 $0xFFFF  }
0x2c: {  	[tilespmem:s15], [sflag:$0x3] =	stream.indirect.gather [spmem:s2], $0x1, s21, s12, $0xb8;
	[tilespmem:$0x1FC50] =	vst v63  }
0x2d: {  	_ = 	snop  }
0x2e: {  	[tilespmem:s16], [sflag:$0x4] =	stream.indirect.gather [spmem:s2], $0x1, s12, s12, $0xb8;
	[tilespmem:$0x1FC50] =	vst v63  }
0x2f: {  	_ =	swait.ge [sflag:s17], $0x400  }
0x30: {  	[sflag:s17] =	ssyncset.done $0x0  }
0x31: {  	[sflag:s17] =	ssyncadd.s32 $0xFFFFFC00  }
0x32: {  	_ =	swait.ge [sflag:s18], $0x400  }
0x33: {  	[sflag:s18] =	ssyncset.done $0x0  }
0x34: {  	s24 =	simm.s32 $0x0;
	[sflag:s18] =	ssyncadd.s32 $0xFFFFFC00  }
0x35: {  	v1 =	vld [tilespmem:s24+$0x800]  }
0x36: {  	v2 =	vld [tilespmem:s24+$0xC00];
	_ =	sdelay $0x1  }
0x37: {  	v3 =	vld [tilespmem:s24+$0x1000];
	_ =	sdelay $0x2  }
0x38: {  	v2 =	vmul.f32 v2, v1  }
0x39: {  	s25 =	simm.s32 $0x10  }
0x3a: {  	s26 =	simm.s32 $0x80;
	v1 =	vld [tilespmem:s25+$0x800];
	v2 =	vadd.f32 v2, v3  }
.LBB2_5:
0x3b: {  	p2 =	sne.s32 s26, $0xFC0;
	v3 =	vld [tilespmem:s25+$0xC00]  }
0x3c: {  	[tilespmem:s24+$0x1000] =	vst v2;
	s24 =	smov.u32 s25  }
0x3d: {  	v2 =	vld [tilespmem:s24+$0x1000]  }
.Ltmp1:
0x3e: {  	(pc) =	sbr.rel @p2 .LBB2_5-.Ltmp1, $4  }
0x3f: {  	_ = 	snop  }
0x40: {  	v3 =	vmul.f32 v3, v1  }
0x41: {  	s25 =	sshra.s32 s26, $0x2  }
0x42: {  	s26 =	sadd.s32 $0x40, s26;
	v1 =	vld [tilespmem:s25+$0x800];
	v2 =	vadd.f32 v3, v2  }
0x43: {  	v3 =	vld [tilespmem:s25+$0xC00]  }
0x44: {  	[tilespmem:s24+$0x1000] =	vst v2  }
0x45: {  	v2 =	vld [tilespmem:s25+$0x1000];
	_ =	sdelay $0x2  }
0x46: {  	v1 =	vmul.f32 v3, v1  }
0x47: {  	p2 =	seq.s32 @p1 s22, $0xF  }
0x48: {  	s23 =	sor.u32 s23, s7;
	p2 =	por p2, !p1;
	v1 =	vadd.f32 v1, v2  }
0x49: {  	s23 =	sadd.s32 @!p2 $0x2, s23  }
0x4a: {  	s24 =	simm.s32 @p1 $0x2;
	s26 =	simm.s32 @!p2 $0x10;
	[tilespmem:s25+$0x1000] =	vst v1;
	s25 =	sshrl.u32 @!p2 s23, $0x3  }
0x4b: {  	s23 =	sshll.u32 @!p2 s23, $0x7;
	[bflag:$0x0] =	sbarrier.arrive $0xFFFF;
	s25 =	smul.u32 @!p2 $0x7A1400, s25  }
0x4c: {  	s28 =	simm.s32 @!p2 $0x80;
	s23 =	sand.u32 @!p2 $0x300, s23;
	_ =	swait.ge @p1 [sflag:s24], $0x1E850  }
0x4d: {  	s29 =	simm.s32 @!p2 $0x1C01;
	[sflag:s24] =	ssyncset.done @p1 $0x0;
	s23 =	sor.u32 @!p2 s23, s25  }
0x4e: {  	s25 =	simm.s32 @!p2 $0x1;
	[sflag:s24] =	ssyncadd.s32 @p1 $0xFFFE17B0;
	s23 =	sshrl.u32 @!p2 s23, $0x3  }
0x4f: {  	s24 =	sshrl.u32 @!p2 s2, $0x3;
	[bflag:$0x0] =	sbarrier.arrive @p1 $0xFFFF;
	s23 =	sadd.s32 @!p2 s1, s23  }
0x50: {  	[spmem:s24@s26], [sflag:s29] =	dma.strided @!p2 [hbm:s23@s28], $0x1E850, s25, $0x10   }
0x51: {  	s31 =	simm.s32 $0x0;
	[bflag:$0x0] =	sbarrier.arrive @!p1 $0xFFFF  }
0x52: {  	[tilespmem:s15], [sflag:$0x3] =	stream.indirect.gather [spmem:s3], $0x1, s31, s12, $0xb8;
	[tilespmem:$0x1FC50] =	vst v63  }
0x53: {  	_ = 	snop  }
0x54: {  	[tilespmem:s16], [sflag:$0x4] =	stream.indirect.gather [spmem:s3], $0x1, s12, s12, $0xb8;
	[tilespmem:$0x1FC50] =	vst v63  }
0x55: {  	_ =	swait.ge [sflag:s17], $0x400  }
0x56: {  	[sflag:s17] =	ssyncset.done $0x0  }
0x57: {  	[sflag:s17] =	ssyncadd.s32 $0xFFFFFC00  }
0x58: {  	_ =	swait.ge [sflag:s18], $0x400  }
0x59: {  	[sflag:s18] =	ssyncset.done $0x0  }
0x5a: {  	s23 =	simm.s32 $0x0;
	[sflag:s18] =	ssyncadd.s32 $0xFFFFFC00  }
0x5b: {  	v1 =	vld [tilespmem:s23+$0x800]  }
0x5c: {  	v2 =	vld [tilespmem:s23+$0xC00];
	_ =	sdelay $0x1  }
0x5d: {  	v3 =	vld [tilespmem:s23+$0x1000];
	_ =	sdelay $0x2  }
0x5e: {  	v2 =	vmul.f32 v2, v1  }
0x5f: {  	s24 =	simm.s32 $0x10  }
0x60: {  	s25 =	simm.s32 $0x80;
	v1 =	vld [tilespmem:s24+$0x800];
	v2 =	vadd.f32 v2, v3  }
.LBB2_7:
0x61: {  	p2 =	sne.s32 s25, $0xFC0;
	v3 =	vld [tilespmem:s24+$0xC00]  }
0x62: {  	[tilespmem:s23+$0x1000] =	vst v2;
	s23 =	smov.u32 s24  }
0x63: {  	v2 =	vld [tilespmem:s23+$0x1000]  }
.Ltmp2:
0x64: {  	(pc) =	sbr.rel @p2 .LBB2_7-.Ltmp2, $4  }
0x65: {  	_ = 	snop  }
0x66: {  	v3 =	vmul.f32 v3, v1  }
0x67: {  	s24 =	sshra.s32 s25, $0x2  }
0x68: {  	s25 =	sadd.s32 $0x40, s25;
	v1 =	vld [tilespmem:s24+$0x800];
	v2 =	vadd.f32 v3, v2  }
0x69: {  	v3 =	vld [tilespmem:s24+$0xC00]  }
0x6a: {  	[tilespmem:s23+$0x1000] =	vst v2  }
0x6b: {  	v2 =	vld [tilespmem:s24+$0x1000];
	_ =	sdelay $0x2  }
0x6c: {  	s22 =	sadd.s32 $0x1, s22;
	v1 =	vmul.f32 v3, v1  }
0x6d: {  	p2 =	sne.s32 s22, $0x10  }
.Ltmp3:
0x6e: {  	v1 =	vadd.f32 v1, v2;
	(pc) =	sbr.rel @p2 .LBB2_4-.Ltmp3, $3  }
0x6f: {  	_ = 	snop  }
0x70: {  	[tilespmem:s24+$0x1000] =	vst v1  }
0x71: {  	[bflag:$0x0] =	sbarrier.arrive $0xFFFF;
	_ =	sdelay $0x1  }
0x72: {  	s20 =	sadd.s32 $0x1, s20  }
0x73: {  	p2 =	sne.s32 s20, s10  }
.Ltmp4:
0x74: {  	_ = 	snop;
	(pc) =	sbr.rel @p2 .LBB2_1-.Ltmp4, $4  }
0x75: {  	[hbm4b:s9+s4] =	stream.linear.scatter [tilespmem:s19], [sflag:$0x5], $0x400, $0x38;
	[tilespmem:$0x1FC50] =	vst v63  }
0x76: {  	_ =	swait.ge [sflag:s11], $0x400  }
0x77: {  	[sflag:s11] =	ssyncset.done $0x0  }
0x78: {  	[sflag:s11] =	ssyncadd.s32 $0xFFFFFC00  }
0x79: {  	_ =	sfence.sel $0x180000  }
0x7a: {  	[bflag:$0x0] =	sbarrier.arrive $0xFFFF  }
0x7b: {  	_ =	strace $0x90000047  }
0x7c: {  	s0 =	sadd.s32 @!p0 $0x100000, s0;
	[bflag:$0x2] =	sbarrier.arrive $0xFFFF  }
0x7d: {  	[sflag:s0] =	ssyncadd.tile.s32 @!p0 $0x1;
	_ =	shalt  }
.Lfunc_end2:
_tile_overlayer_lowered:
.L_overlay_start_2:
0x7e: {  	(tag) =	ssettag $0x2  }
0x7f: {  	s0 =	rddreg [dreg:$0x0];
	s2 =	stileid.u32  }
0x80: {  	s1 =	rddreg [dreg:$0x1];
	p0 =	sne.s32 s2, $0x0  }
0x81: {  	s3 =	rddreg [dreg:$0x2];
	[bflag:$0x3] =	sbarrier.arrive $0xFFFF;
	s2 =	simm.s32 @!p0 $0x1C05  }
0x82: {  	[timem:s3], [sflag:s2] =	dma.local @!p0 [hbm:s0], s1  }
0x83: {  	s0 =	simm.s32 @!p0 $0x5  }
0x84: {  	_ =	swait.ge @!p0 [sflag:s0], s1  }
0x85: {  	s1 =	ssub.s32 @!p0 $0x0, s1;
	[sflag:s0] =	ssyncset.done @!p0 $0x0  }
0x86: {  	[sflag:s0] =	ssyncadd.s32 @!p0 s1  }
0x87: {  	[bflag:$0x3] =	sbarrier.arrive $0xFFFF  }
0x88: {  	_ =	shalt  }

// kernel: kernel.7.cloned.1.call-start
scs
__scs_entry_jumppad:
0x0: {  	(pc) =	sbr.rel $0x88, $3  }
0x1: {  	(tag) =	ssettag $0x0;
	lr =	simm.s32 $0x1  }
0x2: {  	[smem:$0x3F9F] =	sst lr;
	_ =	strace $0xD0000000  }
0x3: {  	_ = 	snop  }
0x4: {  	_ = 	snop  }
0x5: {  	_ = 	snop  }
0x6: {  	_ = 	snop  }
0x7: {  	_ = 	snop  }
__scs_overlays_trampoline_lowered:
0x8: {  	[smem:$0x3FAE] =	sst s0  }
0x9: {  	[smem:$0x3FAF] =	sst s1  }
0xa: {  	[smem:$0x3FB0] =	sst s2  }
0xb: {  	[smem:$0x3FB1] =	sst s3  }
0xc: {  	[smem:$0x3FB2] =	sst s4  }
0xd: {  	[smem:$0x3FB3] =	sst s5  }
0xe: {  	[smem:$0x3FB4] =	sst s6  }
0xf: {  	[smem:$0x3FB5] =	sst s7  }
0x10: {  	[smem:$0x3FB6] =	sst s8  }
0x11: {  	[smem:$0x3FB7] =	sst s9;
	s0 =	simm.s32 @!p0 $0x0  }
0x12: {  	s1 =	sld [smem:$0x3F9D];
	s0 =	simm.s32 @p0 $0x1  }
0x13: {  	[smem:$0x3FB8] =	sst s0;
	s0 =	simm.s32 @!p1 $0x0  }
0x14: {  	s2 =	sld [smem:$0x3F9C];
	s0 =	simm.s32 @p1 $0x1  }
0x15: {  	[smem:$0x3FB9] =	sst s0;
	s0 =	simm.s32 @!p2 $0x0  }
0x16: {  	s3 =	sld [smem:$0x3FDB];
	s0 =	simm.s32 @p2 $0x1  }
0x17: {  	s4 =	simm.s32 $0x1BF5;
	[smem:$0x3FBB] =	sst s0  }
0x18: {  	s0 =	sld [smem:$0x3F9E];
	_ =	swait.ge [sflag:s4], $0x0  }
0x19: {  	s7 =	sld [smem:$0x3F9F]  }
0x1a: {  	s8 =	sadd.s32 $0xFFFFE003, lr  }
0x1b: {  	s9 =	sadd.s32 $0xFFFFFEF7, lr;
	s5 =	simm.s32 $0xFFFFFFFF;
	p2 =	slt.u32 s8, $0xFFFFF086  }
0x1c: {  	p1 =	slt.u32 s9, $0xF7A;
	s5 =	simm.s32 @!p2 $0x0  }
0x1d: {  	s5 =	simm.s32 @p1 $0x1;
	p0 =	seq.s32 s7, s2  }
0x1e: {  	s7 =	smul.u32 @!p0 $0xF7A, s2;
	p2 =	seq.s32 @!p0 s5, $0x0  }
0x1f: {  	s9 =	smul.u32 $0xF7A, s1;
	s8 =	simm.s32 @!p0 $0x1BF5;
	p2 =	por !p2, p0  }
0x20: {  	[sflag:s8] =	ssyncset.s32 @!p0 $0xFFFFF086;
	s6 =	sadd.s32 @!p0 s3, s7;
	s7 =	simm.s32 @!p0 $0x108  }
0x21: {  	s3 =	sadd.s32 s3, s9;
	s6 =	sadd.s32 @!p0 $0x88, s6;
	s7 =	simm.s32 @p2 $0x1082  }
0x22: {  	[simem:s7], [sflag:s8] =	dma.local @!p0 [hbm:s6], $0xF7A  }
0x23: {  	s9 =	sor.u32 $0xD0000000, s2;
	s6 =	simm.s32 $0x108;
	_ =	swait.ge @!p0 [sflag:s8], $0x0  }
0x24: {  	s3 =	sadd.s32 $0x88, s3;
	s6 =	simm.s32 @!p1 $0x1082;
	[sflag:s4] =	ssyncset.s32 $0xFFFFF086  }
0x25: {  	[simem:s6], [sflag:s4] =	dma.local [hbm:s3], $0xF7A  }
0x26: {  	[smem:$0x3F9F] =	sst s1;
	(tag) =	ssettag s2;
	_ =	strace s9  }
0x27: {  	s1 =	sld [smem:$0x3FAF]  }
0x28: {  	s2 =	sld [smem:$0x3FB0]  }
0x29: {  	s4 =	sld [smem:$0x3FB2]  }
0x2a: {  	p0 =	seq.s32 s5, $0x0;
	s5 =	sld [smem:$0x3FB3]  }
0x2b: {  	s6 =	sld [smem:$0x3FB4]  }
0x2c: {  	s7 =	sld [smem:$0x3FB5]  }
0x2d: {  	s3 =	simm.s32 $0x108;
	s8 =	sld [smem:$0x3FB6]  }
0x2e: {  	s3 =	simm.s32 @!p0 $0x1082;
	s9 =	sld [smem:$0x3FB7]  }
0x2f: {  	lr =	sadd.s32 s0, s3;
	s0 =	sld [smem:$0x3FAE]  }
0x30: {  	s3 =	sld [smem:$0x3FB1]  }
0x31: {  	[smem:$0x3FBA] =	sst s10  }
0x32: {  	s10 =	sld [smem:$0x3FB8];
	_ =	sdelay $0x3  }
0x33: {  	p0 =	seq.s32 s10, $0x1;
	s10 =	sld [smem:$0x3FBA];
	_ =	sdelay $0x3  }
0x34: {  	[smem:$0x3FBA] =	sst s10  }
0x35: {  	s10 =	sld [smem:$0x3FB9];
	_ =	sdelay $0x3  }
0x36: {  	p1 =	seq.s32 s10, $0x1;
	s10 =	sld [smem:$0x3FBA];
	_ =	sdelay $0x3  }
0x37: {  	[smem:$0x3FBA] =	sst s10  }
0x38: {  	s10 =	sld [smem:$0x3FBB]  }
0x39: {  	_ = 	snop;
	(pc) =	sbr.ind lr, $3  }
0x3a: {  	_ = 	snop  }
0x3b: {  	_ = 	snop  }
0x3c: {  	p2 =	seq.s32 s10, $0x1;
	s10 =	sld [smem:$0x3FBA]  }
0x3d: {  	_ =	shalt  }
0x3e: {  	_ =	shalt  }
0x3f: {  	_ =	shalt  }
0x40: {  	_ =	shalt  }
0x41: {  	_ =	shalt  }
0x42: {  	_ =	shalt  }
0x43: {  	_ =	shalt  }
0x44: {  	_ =	shalt  }
0x45: {  	_ =	shalt  }
0x46: {  	_ =	shalt  }
0x47: {  	_ =	shalt  }
0x48: {  	_ =	shalt  }
0x49: {  	_ =	shalt  }
0x4a: {  	_ =	shalt  }
0x4b: {  	_ =	shalt  }
0x4c: {  	_ =	shalt  }
0x4d: {  	_ =	shalt  }
0x4e: {  	_ =	shalt  }
0x4f: {  	_ =	shalt  }
0x50: {  	_ =	shalt  }
0x51: {  	_ =	shalt  }
0x52: {  	_ =	shalt  }
0x53: {  	_ =	shalt  }
0x54: {  	_ =	shalt  }
0x55: {  	_ =	shalt  }
0x56: {  	_ =	shalt  }
0x57: {  	_ =	shalt  }
0x58: {  	_ =	shalt  }
0x59: {  	_ =	shalt  }
0x5a: {  	_ =	shalt  }
0x5b: {  	_ =	shalt  }
0x5c: {  	_ =	shalt  }
0x5d: {  	_ =	shalt  }
0x5e: {  	_ =	shalt  }
0x5f: {  	_ =	shalt  }
0x60: {  	_ =	shalt  }
0x61: {  	_ =	shalt  }
0x62: {  	_ =	shalt  }
0x63: {  	_ =	shalt  }
0x64: {  	_ =	shalt  }
0x65: {  	_ =	shalt  }
0x66: {  	_ =	shalt  }
0x67: {  	_ =	shalt  }
0x68: {  	_ =	shalt  }
0x69: {  	_ =	shalt  }
0x6a: {  	_ =	shalt  }
0x6b: {  	_ =	shalt  }
0x6c: {  	_ =	shalt  }
0x6d: {  	_ =	shalt  }
0x6e: {  	_ =	shalt  }
0x6f: {  	_ =	shalt  }
0x70: {  	_ =	shalt  }
0x71: {  	_ =	shalt  }
0x72: {  	_ =	shalt  }
0x73: {  	_ =	shalt  }
0x74: {  	_ =	shalt  }
0x75: {  	_ =	shalt  }
0x76: {  	_ =	shalt  }
0x77: {  	_ =	shalt  }
0x78: {  	_ =	shalt  }
0x79: {  	_ =	shalt  }
0x7a: {  	_ =	shalt  }
0x7b: {  	_ =	shalt  }
0x7c: {  	_ =	shalt  }
0x7d: {  	_ =	shalt  }
0x7e: {  	_ =	shalt  }
0x7f: {  	_ =	shalt  }
0x80: {  	_ =	shalt  }
0x81: {  	_ =	shalt  }
0x82: {  	_ =	shalt  }
0x83: {  	_ =	shalt  }
0x84: {  	_ =	shalt  }
0x85: {  	_ =	shalt  }
0x86: {  	_ =	shalt  }
0x87: {  	_ =	shalt  }
.Lfunc_end0:
.L_simem_size_0:
called_computation.1_lowered:
.L_overlay_start_0:
0x88: {  	s2 =	sld [smem:$0x3FD9]  }
0x89: {  	s3 =	sld [smem:$0x3FFE];
	_ =	sdelay $0x1  }
0x8a: {  	s1 =	srdreg.scid  }
0x8b: {  	s0 =	sand.u32 $0x1, s1  }
0x8c: {  	s17 =	sshll.u32 s0, $0xA;
	s2 =	sadd.s32 s3, s2  }
0x8d: {  	s2 =	sadd.s32 s2, s17  }
0x8e: {  	[smem:$0x3FC6] =	sst s2  }
0x8f: {  	_ = 	snop  }
0x90: {  	s2 =	sld [smem:$0x3FD0];
	(tm) =	ssettm $0x1  }
0x91: {  	s18 =	sld [smem:$0x3FFB];
	_ =	sdelay $0x3  }
0x92: {  	_ =	strace s18  }
0x93: {  	s3 =	sld [smem:$0x3FFC];
	_ =	sdelay $0x3  }
0x94: {  	_ =	strace s3  }
0x95: {  	s3 =	sld [smem:$0x3FFD];
	_ =	sdelay $0x3  }
0x96: {  	_ =	strace s3  }
0x97: {  	_ =	strace $0x8FFFFFFF  }
0x98: {  	s19 =	sld [smem:$0x3FDB];
	_ =	sdelay $0x1  }
0x99: {  	s4 =	simm.s32 $_scs_section_size  }
0x9a: {  	s5 =	simm.s32 $_size__tile_overlayer_lowered;
	s6 =	simm.s32 $_tile_overlayer_lowered  }
0x9b: {  	s22 =	simm.s32 $0x1BFF;
	s21 =	sshll.u32 s6, $0x1;
	s3 =	sadd.s32 s4, s19  }
0x9c: {  	s7 =	simm.s32 $0x0;
	s20 =	sshll.u32 s5, $0x1;
	s5 =	sadd.s32 s21, s3  }
0x9d: {  	[timem:s7], [sflag:s22] =	dma.local [hbm:s5], s20  }
0x9e: {  	_ =	swait.ge [sflag:s22], s20  }
0x9f: {  	s4 =	ssub.s32 $0x0, s20;
	[sflag:s22] =	ssyncset.done $0x0  }
0xa0: {  	[sflag:s22] =	ssyncadd.s32 s4;
	_ =	sdelay $0x1  }
0xa1: {  	s23 =	simm.s32 $0x1B8B  }
0xa2: {  	_ =	swait.ge [sflag:s23], $0x1  }
0xa3: {  	[sflag:s23] =	ssyncset.done $0x0  }
0xa4: {  	s25 =	simm.s32 $0x1B8E;
	s24 =	sld [smem:$0x3FFE];
	[sflag:s23] =	ssyncadd.s32 $0xFFFFFFFF  }
0xa5: {  	s26 =	simm.s32 $execute0_lowered;
	[smem:$0x3FD2] =	sst s25  }
0xa6: {  	s5 =	sshll.u32 s26, $0x1;
	_ =	strace $0x80000049;
	[dreg:$0x1] =	wrdreg $0xFFFFFFFF  }
0xa7: {  	s28 =	simm.s32 $_size_execute0_lowered;
	s3 =	sadd.s32 s3, s5;
	[dreg:$0x0] =	wrdreg $0x0  }
0xa8: {  	s5 =	sshll.u32 s28, $0x1;
	[dreg:$0x2] =	wrdreg s3  }
0xa9: {  	[dreg:$0x3] =	wrdreg s5  }
0xaa: {  	[dreg:$0x4] =	wrdreg $0xC0  }
0xab: {  	_ =	task [dreg:s7], $0x5FFFF  }
0xac: {  	[dreg:$0x1] =	wrdreg $0xFFFFFFFF  }
0xad: {  	[dreg:$0x0] =	wrdreg $0x60  }
0xae: {  	[dreg:$0x2] =	wrdreg s24  }
0xaf: {  	[dreg:$0x3] =	wrdreg s2  }
0xb0: {  	[dreg:$0x4] =	wrdreg $0x9  }
0xb1: {  	_ =	task.clear_ibuf [dreg:s7], $0x5FFFF;
	_ =	strace $0x90000049  }
0xb2: {  	s29 =	simm.s32 $0x9;
	_ =	strace $0x8000004B  }
0xb3: {  	_ =	swait.ge [sflag:s29], $0x1  }
0xb4: {  	[sflag:s29] =	ssyncadd.s32 $0xFFFFFFFF  }
0xb5: {  	_ =	strace $0x9000004B  }
0xb6: {  	_ =	sfence  }
0xb7: {  	s30 =	sld [smem:$0x0];
	_ =	sdelay $0x2  }
0xb8: {  	s31 =	sshll.u32 s1, $0xD;
	s1 =	sshrl.u32 s1, $0x2  }
0xb9: {  	s3 =	sand.u32 $0x4000, s31;
	s1 =	sadd.s32 s1, s30  }
0xba: {  	s0 =	sor.u32 s3, s0;
	s1 =	sshll.u32 s1, $0x11  }
0xbb: {  	s0 =	sor.u32 s1, s0  }
0xbc: {  	s0 =	sadd.s32 $0x8F2B, s0  }
0xbd: {  	[sflag:s0] =	ssyncadd.remote.s32 $0x1  }
0xbe: {  	_ =	sfence.sel $0xFFFF  }
0xbf: {  	[dreg:$0x0] =	wrdreg $0xFFFFFFFF;
	(pc) =	sbr.abs _section_cstart, $3  }
0xc0: {  	[dreg:$0x1] =	wrdreg $0xFFFFFFFF  }
0xc1: {  	_ =	task.clear_ibuf [dreg:s7], $0x2FFFF;
	_ =	strace $0x9FFFFFFF  }
0xc2: {  	(tm) =	ssettm $0x7FFFFFFF  }
0xc3: {  	_ =	shalt  }
tec
execute0_lowered:
.L_overlay_start_1:
0x0: {  	(tag) =	ssettag $0x1  }
0x1: {  	s3 =	rddreg [dreg:$0x0];
	s0 =	srdreg.scid  }
0x2: {  	s5 =	rddreg [dreg:$0x1];
	s1 =	stileid.u32;
	s2 =	simm.s32 $0x0  }
0x3: {  	s9 =	simm.s32 $0x0;
	s4 =	sand.u32 $0x1, s0;
	s0 =	rddreg [dreg:$0x2]  }
0x4: {  	s6 =	sshll.u32 s1, $0x7;
	s7 =	sshll.u32 s4, $0x6;
	s4 =	ssub.s32 $0x2, s4  }
0x5: {  	[smem:$0x7FF] =	sst s2;
	s6 =	sor.u32 s7, s6;
	s31 =	sshrl.u32 s4, $0x1  }
0x6: {  	_ =	strace $0x8000004A;
	s7 =	sadd.s32 s6, s3;
	s8 =	ssub.s32 s4, s31  }
0x7: {  	s5 =	sadd.s32 s5, s6;
	s3 =	sadd.s32 $0x1200, s7;
	s4 =	sadd.s32 $0x1A00, s7  }
0x8: {  	s6 =	smax.u32 s8, $0x1;
	s7 =	simm.s32 $0x1;
	s8 =	simm.s32 $0x200  }
.LBB2_1:
0x9: {  	[tilespmem:s2], [sflag:$0x1] =	stream.linear.gather [hbm4b:s3+s2], $0x200, $0x38;
	[tilespmem:$0x400] =	vst v63  }
0xa: {  	_ =	swait.ge [sflag:s7], $0x200  }
0xb: {  	[sflag:s7] =	ssyncset.done $0x0  }
0xc: {  	[sflag:s7] =	ssyncadd.s32 $0xFFFFFE00  }
0xd: {  	[tilespmem:s8], [sflag:$0x1] =	stream.linear.gather [hbm4b:s4+s2], $0x200, $0x38;
	[tilespmem:$0x400] =	vst v63  }
0xe: {  	_ =	swait.ge [sflag:s7], $0x200  }
0xf: {  	[sflag:s7] =	ssyncset.done $0x0  }
0x10: {  	s10 =	simm.s32 $0x0;
	[sflag:s7] =	ssyncadd.s32 $0xFFFFFE00  }
0x11: {  	s11 =	simm.s32 $0x40;
	v0 =	vld [tilespmem:s10+$0x200]  }
.LBB2_2:
0x12: {  	p0 =	sne.s32 s11, $0x7C0;
	v1 =	vld [tilespmem:s10+$0x0];
	_ =	sdelay $0x4  }
0x13: {  	v0 =	vadd.f32 v0, v1;
	_ =	sdelay $0x1  }
0x14: {  	v0 =	vsub.f32 $0.0e+00, v0;
	_ =	sdelay $0x1  }
0x15: {  	v0 =	vmul.f32 $1.442695020e+00, v0;
	_ =	sdelay $0x1  }
0x16: {  	(erf) = vpow2.f32 v0;
	_ =	sdelay $0x8  }
0x17: {  	v0 =	vpop (erf)  }
0x18: {  	v0 =	vadd.f32 $1.000000000e+00, v0;
	_ =	sdelay $0x1  }
0x19: {  	(erf) = vrcp.f32 v0;
	_ =	sdelay $0x5  }
.Ltmp0:
0x1a: {  	(pc) =	sbr.rel @p0 .LBB2_2-.Ltmp0, $3  }
0x1b: {  	_ =	sdelay $0x1  }
0x1c: {  	s12 =	sshra.s32 s11, $0x2;
	v1 =	vpop (erf)  }
0x1d: {  	s11 =	sadd.s32 $0x40, s11;
	v0 =	vld [tilespmem:s12+$0x200];
	[tilespmem:s10+$0x0] =	vst v1;
	s10 =	smov.u32 s12  }
0x1e: {  	v1 =	vld [tilespmem:s10+$0x0];
	_ =	sdelay $0x4  }
0x1f: {  	v0 =	vadd.f32 v0, v1;
	_ =	sdelay $0x1  }
0x20: {  	v0 =	vsub.f32 $0.0e+00, v0;
	_ =	sdelay $0x1  }
0x21: {  	v0 =	vmul.f32 $1.442695020e+00, v0;
	_ =	sdelay $0x1  }
0x22: {  	(erf) = vpow2.f32 v0;
	_ =	sdelay $0x8  }
0x23: {  	v0 =	vpop (erf)  }
0x24: {  	v0 =	vadd.f32 $1.000000000e+00, v0;
	_ =	sdelay $0x1  }
0x25: {  	(erf) = vrcp.f32 v0;
	_ =	sdelay $0x7  }
0x26: {  	s9 =	sadd.s32 $0x1, s9  }
0x27: {  	p0 =	sne.s32 s9, s6;
	v0 =	vpop (erf)  }
.Ltmp1:
0x28: {  	[tilespmem:s10+$0x0] =	vst v0;
	(pc) =	sbr.rel @p0 .LBB2_1-.Ltmp1, $4  }
0x29: {  	[hbm4b:s5+s2] =	stream.linear.scatter [tilespmem:s2], [sflag:$0x1], $0x200, $0x38;
	[tilespmem:$0x400] =	vst v63  }
0x2a: {  	_ =	swait.ge [sflag:s7], $0x200  }
0x2b: {  	[sflag:s7] =	ssyncset.done $0x0  }
0x2c: {  	[sflag:s7] =	ssyncadd.s32 $0xFFFFFE00  }
0x2d: {  	_ =	sfence.sel $0x180000  }
0x2e: {  	[bflag:$0x0] =	sbarrier.arrive $0xFFFF  }
0x2f: {  	p0 =	sne.s32 s1, $0x0;
	_ =	strace $0x9000004A  }
0x30: {  	s0 =	sadd.s32 @!p0 $0x100000, s0;
	[bflag:$0x2] =	sbarrier.arrive $0xFFFF  }
0x31: {  	[sflag:s0] =	ssyncadd.tile.s32 @!p0 $0x1;
	_ =	shalt  }
.Lfunc_end2:
_tile_overlayer_lowered:
.L_overlay_start_2:
0x32: {  	(tag) =	ssettag $0x2  }
0x33: {  	s0 =	rddreg [dreg:$0x0];
	s2 =	stileid.u32  }
0x34: {  	s1 =	rddreg [dreg:$0x1];
	p0 =	sne.s32 s2, $0x0  }
0x35: {  	s3 =	rddreg [dreg:$0x2];
	[bflag:$0x3] =	sbarrier.arrive $0xFFFF;
	s2 =	simm.s32 @!p0 $0x1C01  }
0x36: {  	[timem:s3], [sflag:s2] =	dma.local @!p0 [hbm:s0], s1  }
0x37: {  	s0 =	simm.s32 @!p0 $0x1  }
0x38: {  	_ =	swait.ge @!p0 [sflag:s0], s1  }
0x39: {  	s1 =	ssub.s32 @!p0 $0x0, s1;
	[sflag:s0] =	ssyncset.done @!p0 $0x0  }
0x3a: {  	[sflag:s0] =	ssyncadd.s32 @!p0 s1  }
0x3b: {  	[bflag:$0x3] =	sbarrier.arrive $0xFFFF  }
0x3c: {  	_ =	shalt  }

</sc_bundles>
